<compile_context>
chip_gen: v7x
topology: tpu7x:2x2x1
jax: 0.10.2.dev20260603
libtpu: 0.0.44.dev20260713+nightly
codegen_flags: <defaults>
</compile_context>

<pallas_src>
import functools

import jax
import jax.numpy as jnp
from jax import lax
from jax.experimental import pallas as pl
from jax.experimental.pallas import tpu as pltpu
from jax.experimental.pallas import tpu_sc as plsc


def _make_sc_gather(B, V, D):
    info = plsc.get_sparse_core_info()
    NC, NS = info.num_cores, info.num_subcores
    NW = NC * NS
    assert B % NW == 0
    b_per_w = B // NW
    NSEM = 8
    UNROLL = 8

    mesh = plsc.VectorSubcoreMesh(core_axis_name="c", subcore_axis_name="s")

    @functools.partial(
        pl.kernel,
        mesh=mesh,
        out_type=jax.ShapeDtypeStruct((B, D), jnp.float32),
        scratch_types=[
            pltpu.VMEM_SHARED((B,), jnp.int32),
            pltpu.SMEM((b_per_w,), jnp.int32),
            pltpu.VMEM((b_per_w, D), jnp.float32),
            [pltpu.SemaphoreType.DMA] * NSEM,
        ],
    )
    def k(ids_hbm, table_hbm, out_hbm, idx_sh, idx_s, rows_v, sems):
        wid = lax.axis_index("s") * NC + lax.axis_index("c")
        base = wid * b_per_w

        @pl.when(lax.axis_index("s") == 0)
        def _():
            pltpu.sync_copy(ids_hbm, idx_sh)

        plsc.subcore_barrier()
        pltpu.sync_copy(idx_sh.at[pl.ds(base, b_per_w)], idx_s)

        def body(t, carry):
            j0 = t * UNROLL
            for u in range(UNROLL):
                j = j0 + u
                i = idx_s[j]
                pltpu.async_copy(
                    table_hbm.at[pl.ds(i, 1)],
                    rows_v.at[pl.ds(j, 1)],
                    sems[u % NSEM],
                )
            return carry

        lax.fori_loop(0, b_per_w // UNROLL, body, 0)
        per_sem = b_per_w // NSEM
        for u in range(NSEM):
            pltpu.make_async_copy(
                table_hbm.at[pl.ds(0, per_sem)],
                rows_v.at[pl.ds(u * per_sem, per_sem)],
                sems[u],
            ).wait()
        pltpu.sync_copy(rows_v, out_hbm.at[pl.ds(base, b_per_w)])

    return k


def kernel(style_ids, table):
    (B,) = style_ids.shape
    V, D = table.shape
    return _make_sc_gather(B, V, D)(style_ids.astype(jnp.int32), table)

# --- scband reference (transcript-rebuilt; emitter-appended) ---
"""Pipeline reference for scband-style-embedding-31078383354179 (READ-ONLY COPY).

The authoritative reference and input builder live on the scoring server;
editing this copy changes nothing except your own understanding.
"""

import jax, jax.numpy as jnp
import numpy as np

NUM_STYLES = 1000000
EMBED_DIM = 64
BATCH = 16384

def setup_inputs(seed: int = 0) -> dict:
    key = jax.random.key(seed)
    k_idx, k_tab = jax.random.split(key)
    style_ids = jax.random.randint(k_idx, (BATCH,), 0, NUM_STYLES, dtype=jnp.int64 if jax.config.jax_enable_x64 else jnp.int32)
    table = jax.random.normal(k_tab, (NUM_STYLES, EMBED_DIM), dtype=jnp.float32)
    return {"style_ids": style_ids, "table": table}

def reference(style_ids, table):
    # nn.Embedding forward == row gather from the embedding table
    return jnp.take(table, style_ids, axis=0)

if __name__ == "__main__":
    import jax
    _d = setup_inputs()
    print(jax.jit(kernel)(*tuple(_d.values())))

</pallas_src>

<mosaic_0001>
#map = affine_map<(d0, d1) -> (0)>
#map1 = affine_map<(d0, d1) -> (0, 0)>
module attributes {stable_mosaic.version = 14 : i64} {
  func.func @k(%arg0: i32, %arg1: i32, %arg2: memref<16384xi32, #tpu.memory_space<hbm>>, %arg3: memref<1000000x64xf32, #tpu.memory_space<hbm>>, %arg4: memref<16384x64xf32, #tpu.memory_space<hbm>>, %arg5: memref<16384xi32, #tpu.memory_space<vmem_shared>>, %arg6: memref<512xi32, #tpu.memory_space<smem>>, %arg7: memref<512x64xf32, #tpu.memory_space<vmem>>, %arg8: memref<!tpu.dma_semaphore, #tpu.memory_space<semaphore_mem>>, %arg9: memref<!tpu.dma_semaphore, #tpu.memory_space<semaphore_mem>>, %arg10: memref<!tpu.dma_semaphore, #tpu.memory_space<semaphore_mem>>, %arg11: memref<!tpu.dma_semaphore, #tpu.memory_space<semaphore_mem>>, %arg12: memref<!tpu.dma_semaphore, #tpu.memory_space<semaphore_mem>>, %arg13: memref<!tpu.dma_semaphore, #tpu.memory_space<semaphore_mem>>, %arg14: memref<!tpu.dma_semaphore, #tpu.memory_space<semaphore_mem>>, %arg15: memref<!tpu.dma_semaphore, #tpu.memory_space<semaphore_mem>>) attributes {dimension_semantics = [#tpu.dimension_semantics<core_parallel>, #tpu.dimension_semantics<subcore_parallel>], iteration_bounds = array<i64: 2, 16>, scalar_prefetch = 0 : i64, scratch_operands = 11 : i64, tpu.core_type = #tpu.core_type<sc_vector_subcore>, window_params = [{transform_indices = #map}, {transform_indices = #map1}, {transform_indices = #map1}]} {
    %mul3A = arith.constant 2 : i32
    %mul3A_0 = arith.muli %arg1, %mul3A : i32
    %add3A = arith.addi %mul3A_0, %arg0 : i32
    %mul3A_1 = arith.constant 512 : i32
    %mul3A_2 = arith.muli %add3A, %mul3A_1 : i32
    %eq3A = arith.constant 0 : i32
    %eq3A_3 = arith.cmpi eq, %arg1, %eq3A : i32
    %convert_element_type3A = arith.extui %eq3A_3 : i1 to i32
    %cond3A = arith.constant 0 : i32
    %cond3A_4 = arith.cmpi ne, %convert_element_type3A, %cond3A : i32
    scf.if %cond3A_4 {
      "tpu.region"() ({
        %run_scoped3A = tpu.sem_alloc : memref<!tpu.dma_semaphore, #tpu.memory_space<semaphore_mem>>
        tpu.enqueue_dma source(%arg2 : memref<16384xi32, #tpu.memory_space<hbm>>) target(%arg5 : memref<16384xi32, #tpu.memory_space<vmem_shared>>) target_semaphore(%run_scoped3A : memref<!tpu.dma_semaphore, #tpu.memory_space<semaphore_mem>>)
        tpu.wait_dma2 semaphore(%run_scoped3A : memref<!tpu.dma_semaphore, #tpu.memory_space<semaphore_mem>>) src(%arg2 : memref<16384xi32, #tpu.memory_space<hbm>>) dst(%arg5 : memref<16384xi32, #tpu.memory_space<vmem_shared>>)
        tpu.yield
      }) : () -> ()
    } else {
    }
    %barrier3A = arith.constant 0 : index
    tpu.barrier barrier_id(%barrier3A)
    "tpu.region"() ({
      %run_scoped3A = tpu.sem_alloc : memref<!tpu.dma_semaphore, #tpu.memory_space<semaphore_mem>>
      %dma_start3A = tpu.memref_slice %arg5[%mul3A_2] : memref<16384xi32, #tpu.memory_space<vmem_shared>> -> memref<512xi32, #tpu.memory_space<vmem_shared>>
      tpu.enqueue_dma source(%dma_start3A : memref<512xi32, #tpu.memory_space<vmem_shared>>) target(%arg6 : memref<512xi32, #tpu.memory_space<smem>>) target_semaphore(%run_scoped3A : memref<!tpu.dma_semaphore, #tpu.memory_space<semaphore_mem>>)
      %dma_wait3A_105 = tpu.memref_slice %arg5[%mul3A_2] : memref<16384xi32, #tpu.memory_space<vmem_shared>> -> memref<512xi32, #tpu.memory_space<vmem_shared>>
      tpu.wait_dma2 semaphore(%run_scoped3A : memref<!tpu.dma_semaphore, #tpu.memory_space<semaphore_mem>>) src(%dma_wait3A_105 : memref<512xi32, #tpu.memory_space<vmem_shared>>) dst(%arg6 : memref<512xi32, #tpu.memory_space<smem>>)
      tpu.yield
    }) : () -> ()
    %scan3A = arith.constant 0 : i32
    %scan3A_5 = arith.constant 0 : i32
    %scan3A_6 = arith.constant 64 : i32
    %scan3A_7 = arith.addi %scan3A_5, %scan3A_6 : i32
    %scan3A_8 = arith.constant 1 : i32
    scf.for %scan3A_105 = %scan3A_5 to %scan3A_7 step %scan3A_8  : i32 {
      %mul3A_106 = arith.constant 8 : i32
      %mul3A_107 = arith.muli %scan3A_105, %mul3A_106 : i32
      %add3A_108 = arith.constant 0 : i32
      %add3A_109 = arith.addi %mul3A_107, %add3A_108 : i32
      %get3A = arith.index_cast %add3A_109 : i32 to index
      %get3A_110 = memref.load %arg6[%get3A] : memref<512xi32, #tpu.memory_space<smem>>
      %dma_start3A = arith.constant 0 : i32
      %dma_start3A_111 = tpu.memref_slice %arg7[%add3A_109, %dma_start3A] : memref<512x64xf32, #tpu.memory_space<vmem>> -> memref<1x64xf32, #tpu.memory_space<vmem>>
      %dma_start3A_112 = arith.constant 0 : i32
      %dma_start3A_113 = tpu.memref_slice %arg3[%get3A_110, %dma_start3A_112] : memref<1000000x64xf32, #tpu.memory_space<hbm>> -> memref<1x64xf32, #tpu.memory_space<hbm>>
      %dma_start3A_114 = arith.constant 0 : i32
      %dma_start3A_115 = tpu.memref_slice %arg7[%add3A_109, %dma_start3A_114] : memref<512x64xf32, #tpu.memory_space<vmem>> -> memref<1x64xf32, #tpu.memory_space<vmem>>
      %dma_start3A_116 = arith.constant 0 : i32
      %dma_start3A_117 = tpu.memref_slice %arg3[%get3A_110, %dma_start3A_116] : memref<1000000x64xf32, #tpu.memory_space<hbm>> -> memref<1x64xf32, #tpu.memory_space<hbm>>
      tpu.enqueue_dma source(%dma_start3A_117 : memref<1x64xf32, #tpu.memory_space<hbm>>) target(%dma_start3A_115 : memref<1x64xf32, #tpu.memory_space<vmem>>) target_semaphore(%arg8 : memref<!tpu.dma_semaphore, #tpu.memory_space<semaphore_mem>>)
      %add3A_118 = arith.constant 1 : i32
      %add3A_119 = arith.addi %mul3A_107, %add3A_118 : i32
      %get3A_120 = arith.index_cast %add3A_119 : i32 to index
      %get3A_121 = memref.load %arg6[%get3A_120] : memref<512xi32, #tpu.memory_space<smem>>
      %dma_start3A_122 = arith.constant 0 : i32
      %dma_start3A_123 = tpu.memref_slice %arg7[%add3A_119, %dma_start3A_122] : memref<512x64xf32, #tpu.memory_space<vmem>> -> memref<1x64xf32, #tpu.memory_space<vmem>>
      %dma_start3A_124 = arith.constant 0 : i32
      %dma_start3A_125 = tpu.memref_slice %arg3[%get3A_121, %dma_start3A_124] : memref<1000000x64xf32, #tpu.memory_space<hbm>> -> memref<1x64xf32, #tpu.memory_space<hbm>>
      %dma_start3A_126 = arith.constant 0 : i32
      %dma_start3A_127 = tpu.memref_slice %arg7[%add3A_119, %dma_start3A_126] : memref<512x64xf32, #tpu.memory_space<vmem>> -> memref<1x64xf32, #tpu.memory_space<vmem>>
      %dma_start3A_128 = arith.constant 0 : i32
      %dma_start3A_129 = tpu.memref_slice %arg3[%get3A_121, %dma_start3A_128] : memref<1000000x64xf32, #tpu.memory_space<hbm>> -> memref<1x64xf32, #tpu.memory_space<hbm>>
      tpu.enqueue_dma source(%dma_start3A_129 : memref<1x64xf32, #tpu.memory_space<hbm>>) target(%dma_start3A_127 : memref<1x64xf32, #tpu.memory_space<vmem>>) target_semaphore(%arg9 : memref<!tpu.dma_semaphore, #tpu.memory_space<semaphore_mem>>)
      %add3A_130 = arith.constant 2 : i32
      %add3A_131 = arith.addi %mul3A_107, %add3A_130 : i32
      %get3A_132 = arith.index_cast %add3A_131 : i32 to index
      %get3A_133 = memref.load %arg6[%get3A_132] : memref<512xi32, #tpu.memory_space<smem>>
      %dma_start3A_134 = arith.constant 0 : i32
      %dma_start3A_135 = tpu.memref_slice %arg7[%add3A_131, %dma_start3A_134] : memref<512x64xf32, #tpu.memory_space<vmem>> -> memref<1x64xf32, #tpu.memory_space<vmem>>
      %dma_start3A_136 = arith.constant 0 : i32
      %dma_start3A_137 = tpu.memref_slice %arg3[%get3A_133, %dma_start3A_136] : memref<1000000x64xf32, #tpu.memory_space<hbm>> -> memref<1x64xf32, #tpu.memory_space<hbm>>
      %dma_start3A_138 = arith.constant 0 : i32
      %dma_start3A_139 = tpu.memref_slice %arg7[%add3A_131, %dma_start3A_138] : memref<512x64xf32, #tpu.memory_space<vmem>> -> memref<1x64xf32, #tpu.memory_space<vmem>>
      %dma_start3A_140 = arith.constant 0 : i32
      %dma_start3A_141 = tpu.memref_slice %arg3[%get3A_133, %dma_start3A_140] : memref<1000000x64xf32, #tpu.memory_space<hbm>> -> memref<1x64xf32, #tpu.memory_space<hbm>>
      tpu.enqueue_dma source(%dma_start3A_141 : memref<1x64xf32, #tpu.memory_space<hbm>>) target(%dma_start3A_139 : memref<1x64xf32, #tpu.memory_space<vmem>>) target_semaphore(%arg10 : memref<!tpu.dma_semaphore, #tpu.memory_space<semaphore_mem>>)
      %add3A_142 = arith.constant 3 : i32
      %add3A_143 = arith.addi %mul3A_107, %add3A_142 : i32
      %get3A_144 = arith.index_cast %add3A_143 : i32 to index
      %get3A_145 = memref.load %arg6[%get3A_144] : memref<512xi32, #tpu.memory_space<smem>>
      %dma_start3A_146 = arith.constant 0 : i32
      %dma_start3A_147 = tpu.memref_slice %arg7[%add3A_143, %dma_start3A_146] : memref<512x64xf32, #tpu.memory_space<vmem>> -> memref<1x64xf32, #tpu.memory_space<vmem>>
      %dma_start3A_148 = arith.constant 0 : i32
      %dma_start3A_149 = tpu.memref_slice %arg3[%get3A_145, %dma_start3A_148] : memref<1000000x64xf32, #tpu.memory_space<hbm>> -> memref<1x64xf32, #tpu.memory_space<hbm>>
      %dma_start3A_150 = arith.constant 0 : i32
      %dma_start3A_151 = tpu.memref_slice %arg7[%add3A_143, %dma_start3A_150] : memref<512x64xf32, #tpu.memory_space<vmem>> -> memref<1x64xf32, #tpu.memory_space<vmem>>
      %dma_start3A_152 = arith.constant 0 : i32
      %dma_start3A_153 = tpu.memref_slice %arg3[%get3A_145, %dma_start3A_152] : memref<1000000x64xf32, #tpu.memory_space<hbm>> -> memref<1x64xf32, #tpu.memory_space<hbm>>
      tpu.enqueue_dma source(%dma_start3A_153 : memref<1x64xf32, #tpu.memory_space<hbm>>) target(%dma_start3A_151 : memref<1x64xf32, #tpu.memory_space<vmem>>) target_semaphore(%arg11 : memref<!tpu.dma_semaphore, #tpu.memory_space<semaphore_mem>>)
      %add3A_154 = arith.constant 4 : i32
      %add3A_155 = arith.addi %mul3A_107, %add3A_154 : i32
      %get3A_156 = arith.index_cast %add3A_155 : i32 to index
      %get3A_157 = memref.load %arg6[%get3A_156] : memref<512xi32, #tpu.memory_space<smem>>
      %dma_start3A_158 = arith.constant 0 : i32
      %dma_start3A_159 = tpu.memref_slice %arg7[%add3A_155, %dma_start3A_158] : memref<512x64xf32, #tpu.memory_space<vmem>> -> memref<1x64xf32, #tpu.memory_space<vmem>>
      %dma_start3A_160 = arith.constant 0 : i32
      %dma_start3A_161 = tpu.memref_slice %arg3[%get3A_157, %dma_start3A_160] : memref<1000000x64xf32, #tpu.memory_space<hbm>> -> memref<1x64xf32, #tpu.memory_space<hbm>>
      %dma_start3A_162 = arith.constant 0 : i32
      %dma_start3A_163 = tpu.memref_slice %arg7[%add3A_155, %dma_start3A_162] : memref<512x64xf32, #tpu.memory_space<vmem>> -> memref<1x64xf32, #tpu.memory_space<vmem>>
      %dma_start3A_164 = arith.constant 0 : i32
      %dma_start3A_165 = tpu.memref_slice %arg3[%get3A_157, %dma_start3A_164] : memref<1000000x64xf32, #tpu.memory_space<hbm>> -> memref<1x64xf32, #tpu.memory_space<hbm>>
      tpu.enqueue_dma source(%dma_start3A_165 : memref<1x64xf32, #tpu.memory_space<hbm>>) target(%dma_start3A_163 : memref<1x64xf32, #tpu.memory_space<vmem>>) target_semaphore(%arg12 : memref<!tpu.dma_semaphore, #tpu.memory_space<semaphore_mem>>)
      %add3A_166 = arith.constant 5 : i32
      %add3A_167 = arith.addi %mul3A_107, %add3A_166 : i32
      %get3A_168 = arith.index_cast %add3A_167 : i32 to index
      %get3A_169 = memref.load %arg6[%get3A_168] : memref<512xi32, #tpu.memory_space<smem>>
      %dma_start3A_170 = arith.constant 0 : i32
      %dma_start3A_171 = tpu.memref_slice %arg7[%add3A_167, %dma_start3A_170] : memref<512x64xf32, #tpu.memory_space<vmem>> -> memref<1x64xf32, #tpu.memory_space<vmem>>
      %dma_start3A_172 = arith.constant 0 : i32
      %dma_start3A_173 = tpu.memref_slice %arg3[%get3A_169, %dma_start3A_172] : memref<1000000x64xf32, #tpu.memory_space<hbm>> -> memref<1x64xf32, #tpu.memory_space<hbm>>
      %dma_start3A_174 = arith.constant 0 : i32
      %dma_start3A_175 = tpu.memref_slice %arg7[%add3A_167, %dma_start3A_174] : memref<512x64xf32, #tpu.memory_space<vmem>> -> memref<1x64xf32, #tpu.memory_space<vmem>>
      %dma_start3A_176 = arith.constant 0 : i32
      %dma_start3A_177 = tpu.memref_slice %arg3[%get3A_169, %dma_start3A_176] : memref<1000000x64xf32, #tpu.memory_space<hbm>> -> memref<1x64xf32, #tpu.memory_space<hbm>>
      tpu.enqueue_dma source(%dma_start3A_177 : memref<1x64xf32, #tpu.memory_space<hbm>>) target(%dma_start3A_175 : memref<1x64xf32, #tpu.memory_space<vmem>>) target_semaphore(%arg13 : memref<!tpu.dma_semaphore, #tpu.memory_space<semaphore_mem>>)
      %add3A_178 = arith.constant 6 : i32
      %add3A_179 = arith.addi %mul3A_107, %add3A_178 : i32
      %get3A_180 = arith.index_cast %add3A_179 : i32 to index
      %get3A_181 = memref.load %arg6[%get3A_180] : memref<512xi32, #tpu.memory_space<smem>>
      %dma_start3A_182 = arith.constant 0 : i32
      %dma_start3A_183 = tpu.memref_slice %arg7[%add3A_179, %dma_start3A_182] : memref<512x64xf32, #tpu.memory_space<vmem>> -> memref<1x64xf32, #tpu.memory_space<vmem>>
      %dma_start3A_184 = arith.constant 0 : i32
      %dma_start3A_185 = tpu.memref_slice %arg3[%get3A_181, %dma_start3A_184] : memref<1000000x64xf32, #tpu.memory_space<hbm>> -> memref<1x64xf32, #tpu.memory_space<hbm>>
      %dma_start3A_186 = arith.constant 0 : i32
      %dma_start3A_187 = tpu.memref_slice %arg7[%add3A_179, %dma_start3A_186] : memref<512x64xf32, #tpu.memory_space<vmem>> -> memref<1x64xf32, #tpu.memory_space<vmem>>
      %dma_start3A_188 = arith.constant 0 : i32
      %dma_start3A_189 = tpu.memref_slice %arg3[%get3A_181, %dma_start3A_188] : memref<1000000x64xf32, #tpu.memory_space<hbm>> -> memref<1x64xf32, #tpu.memory_space<hbm>>
      tpu.enqueue_dma source(%dma_start3A_189 : memref<1x64xf32, #tpu.memory_space<hbm>>) target(%dma_start3A_187 : memref<1x64xf32, #tpu.memory_space<vmem>>) target_semaphore(%arg14 : memref<!tpu.dma_semaphore, #tpu.memory_space<semaphore_mem>>)
      %add3A_190 = arith.constant 7 : i32
      %add3A_191 = arith.addi %mul3A_107, %add3A_190 : i32
      %get3A_192 = arith.index_cast %add3A_191 : i32 to index
      %get3A_193 = memref.load %arg6[%get3A_192] : memref<512xi32, #tpu.memory_space<smem>>
      %dma_start3A_194 = arith.constant 0 : i32
      %dma_start3A_195 = tpu.memref_slice %arg7[%add3A_191, %dma_start3A_194] : memref<512x64xf32, #tpu.memory_space<vmem>> -> memref<1x64xf32, #tpu.memory_space<vmem>>
      %dma_start3A_196 = arith.constant 0 : i32
      %dma_start3A_197 = tpu.memref_slice %arg3[%get3A_193, %dma_start3A_196] : memref<1000000x64xf32, #tpu.memory_space<hbm>> -> memref<1x64xf32, #tpu.memory_space<hbm>>
      %dma_start3A_198 = arith.constant 0 : i32
      %dma_start3A_199 = tpu.memref_slice %arg7[%add3A_191, %dma_start3A_198] : memref<512x64xf32, #tpu.memory_space<vmem>> -> memref<1x64xf32, #tpu.memory_space<vmem>>
      %dma_start3A_200 = arith.constant 0 : i32
      %dma_start3A_201 = tpu.memref_slice %arg3[%get3A_193, %dma_start3A_200] : memref<1000000x64xf32, #tpu.memory_space<hbm>> -> memref<1x64xf32, #tpu.memory_space<hbm>>
      tpu.enqueue_dma source(%dma_start3A_201 : memref<1x64xf32, #tpu.memory_space<hbm>>) target(%dma_start3A_199 : memref<1x64xf32, #tpu.memory_space<vmem>>) target_semaphore(%arg15 : memref<!tpu.dma_semaphore, #tpu.memory_space<semaphore_mem>>)
    }
    %scan3A_9 = arith.constant 64 : i32
    %dma_wait3A = arith.constant 0 : i32
    %dma_wait3A_10 = arith.constant 0 : i32
    %dma_wait3A_11 = tpu.memref_slice %arg7[%dma_wait3A, %dma_wait3A_10] : memref<512x64xf32, #tpu.memory_space<vmem>> -> memref<64x64xf32, #tpu.memory_space<vmem>>
    %dma_wait3A_12 = arith.constant 0 : i32
    %dma_wait3A_13 = arith.constant 0 : i32
    %dma_wait3A_14 = tpu.memref_slice %arg3[%dma_wait3A_12, %dma_wait3A_13] : memref<1000000x64xf32, #tpu.memory_space<hbm>> -> memref<64x64xf32, #tpu.memory_space<hbm>>
    %dma_wait3A_15 = arith.constant 0 : i32
    %dma_wait3A_16 = arith.constant 0 : i32
    %dma_wait3A_17 = tpu.memref_slice %arg7[%dma_wait3A_15, %dma_wait3A_16] : memref<512x64xf32, #tpu.memory_space<vmem>> -> memref<64x64xf32, #tpu.memory_space<vmem>>
    %dma_wait3A_18 = arith.constant 0 : i32
    %dma_wait3A_19 = arith.constant 0 : i32
    %dma_wait3A_20 = tpu.memref_slice %arg3[%dma_wait3A_18, %dma_wait3A_19] : memref<1000000x64xf32, #tpu.memory_space<hbm>> -> memref<64x64xf32, #tpu.memory_space<hbm>>
    tpu.wait_dma2 semaphore(%arg8 : memref<!tpu.dma_semaphore, #tpu.memory_space<semaphore_mem>>) src(%dma_wait3A_20 : memref<64x64xf32, #tpu.memory_space<hbm>>) dst(%dma_wait3A_17 : memref<64x64xf32, #tpu.memory_space<vmem>>)
    %dma_wait3A_21 = arith.constant 64 : i32
    %dma_wait3A_22 = arith.constant 0 : i32
    %dma_wait3A_23 = tpu.memref_slice %arg7[%dma_wait3A_21, %dma_wait3A_22] : memref<512x64xf32, #tpu.memory_space<vmem>> -> memref<64x64xf32, #tpu.memory_space<vmem>>
    %dma_wait3A_24 = arith.constant 0 : i32
    %dma_wait3A_25 = arith.constant 0 : i32
    %dma_wait3A_26 = tpu.memref_slice %arg3[%dma_wait3A_24, %dma_wait3A_25] : memref<1000000x64xf32, #tpu.memory_space<hbm>> -> memref<64x64xf32, #tpu.memory_space<hbm>>
    %dma_wait3A_27 = arith.constant 64 : i32
    %dma_wait3A_28 = arith.constant 0 : i32
    %dma_wait3A_29 = tpu.memref_slice %arg7[%dma_wait3A_27, %dma_wait3A_28] : memref<512x64xf32, #tpu.memory_space<vmem>> -> memref<64x64xf32, #tpu.memory_space<vmem>>
    %dma_wait3A_30 = arith.constant 0 : i32
    %dma_wait3A_31 = arith.constant 0 : i32
    %dma_wait3A_32 = tpu.memref_slice %arg3[%dma_wait3A_30, %dma_wait3A_31] : memref<1000000x64xf32, #tpu.memory_space<hbm>> -> memref<64x64xf32, #tpu.memory_space<hbm>>
    tpu.wait_dma2 semaphore(%arg9 : memref<!tpu.dma_semaphore, #tpu.memory_space<semaphore_mem>>) src(%dma_wait3A_32 : memref<64x64xf32, #tpu.memory_space<hbm>>) dst(%dma_wait3A_29 : memref<64x64xf32, #tpu.memory_space<vmem>>)
    %dma_wait3A_33 = arith.constant 128 : i32
    %dma_wait3A_34 = arith.constant 0 : i32
    %dma_wait3A_35 = tpu.memref_slice %arg7[%dma_wait3A_33, %dma_wait3A_34] : memref<512x64xf32, #tpu.memory_space<vmem>> -> memref<64x64xf32, #tpu.memory_space<vmem>>
    %dma_wait3A_36 = arith.constant 0 : i32
    %dma_wait3A_37 = arith.constant 0 : i32
    %dma_wait3A_38 = tpu.memref_slice %arg3[%dma_wait3A_36, %dma_wait3A_37] : memref<1000000x64xf32, #tpu.memory_space<hbm>> -> memref<64x64xf32, #tpu.memory_space<hbm>>
    %dma_wait3A_39 = arith.constant 128 : i32
    %dma_wait3A_40 = arith.constant 0 : i32
    %dma_wait3A_41 = tpu.memref_slice %arg7[%dma_wait3A_39, %dma_wait3A_40] : memref<512x64xf32, #tpu.memory_space<vmem>> -> memref<64x64xf32, #tpu.memory_space<vmem>>
    %dma_wait3A_42 = arith.constant 0 : i32
    %dma_wait3A_43 = arith.constant 0 : i32
    %dma_wait3A_44 = tpu.memref_slice %arg3[%dma_wait3A_42, %dma_wait3A_43] : memref<1000000x64xf32, #tpu.memory_space<hbm>> -> memref<64x64xf32, #tpu.memory_space<hbm>>
    tpu.wait_dma2 semaphore(%arg10 : memref<!tpu.dma_semaphore, #tpu.memory_space<semaphore_mem>>) src(%dma_wait3A_44 : memref<64x64xf32, #tpu.memory_space<hbm>>) dst(%dma_wait3A_41 : memref<64x64xf32, #tpu.memory_space<vmem>>)
    %dma_wait3A_45 = arith.constant 192 : i32
    %dma_wait3A_46 = arith.constant 0 : i32
    %dma_wait3A_47 = tpu.memref_slice %arg7[%dma_wait3A_45, %dma_wait3A_46] : memref<512x64xf32, #tpu.memory_space<vmem>> -> memref<64x64xf32, #tpu.memory_space<vmem>>
    %dma_wait3A_48 = arith.constant 0 : i32
    %dma_wait3A_49 = arith.constant 0 : i32
    %dma_wait3A_50 = tpu.memref_slice %arg3[%dma_wait3A_48, %dma_wait3A_49] : memref<1000000x64xf32, #tpu.memory_space<hbm>> -> memref<64x64xf32, #tpu.memory_space<hbm>>
    %dma_wait3A_51 = arith.constant 192 : i32
    %dma_wait3A_52 = arith.constant 0 : i32
    %dma_wait3A_53 = tpu.memref_slice %arg7[%dma_wait3A_51, %dma_wait3A_52] : memref<512x64xf32, #tpu.memory_space<vmem>> -> memref<64x64xf32, #tpu.memory_space<vmem>>
    %dma_wait3A_54 = arith.constant 0 : i32
    %dma_wait3A_55 = arith.constant 0 : i32
    %dma_wait3A_56 = tpu.memref_slice %arg3[%dma_wait3A_54, %dma_wait3A_55] : memref<1000000x64xf32, #tpu.memory_space<hbm>> -> memref<64x64xf32, #tpu.memory_space<hbm>>
    tpu.wait_dma2 semaphore(%arg11 : memref<!tpu.dma_semaphore, #tpu.memory_space<semaphore_mem>>) src(%dma_wait3A_56 : memref<64x64xf32, #tpu.memory_space<hbm>>) dst(%dma_wait3A_53 : memref<64x64xf32, #tpu.memory_space<vmem>>)
    %dma_wait3A_57 = arith.constant 256 : i32
    %dma_wait3A_58 = arith.constant 0 : i32
    %dma_wait3A_59 = tpu.memref_slice %arg7[%dma_wait3A_57, %dma_wait3A_58] : memref<512x64xf32, #tpu.memory_space<vmem>> -> memref<64x64xf32, #tpu.memory_space<vmem>>
    %dma_wait3A_60 = arith.constant 0 : i32
    %dma_wait3A_61 = arith.constant 0 : i32
    %dma_wait3A_62 = tpu.memref_slice %arg3[%dma_wait3A_60, %dma_wait3A_61] : memref<1000000x64xf32, #tpu.memory_space<hbm>> -> memref<64x64xf32, #tpu.memory_space<hbm>>
    %dma_wait3A_63 = arith.constant 256 : i32
    %dma_wait3A_64 = arith.constant 0 : i32
    %dma_wait3A_65 = tpu.memref_slice %arg7[%dma_wait3A_63, %dma_wait3A_64] : memref<512x64xf32, #tpu.memory_space<vmem>> -> memref<64x64xf32, #tpu.memory_space<vmem>>
    %dma_wait3A_66 = arith.constant 0 : i32
    %dma_wait3A_67 = arith.constant 0 : i32
    %dma_wait3A_68 = tpu.memref_slice %arg3[%dma_wait3A_66, %dma_wait3A_67] : memref<1000000x64xf32, #tpu.memory_space<hbm>> -> memref<64x64xf32, #tpu.memory_space<hbm>>
    tpu.wait_dma2 semaphore(%arg12 : memref<!tpu.dma_semaphore, #tpu.memory_space<semaphore_mem>>) src(%dma_wait3A_68 : memref<64x64xf32, #tpu.memory_space<hbm>>) dst(%dma_wait3A_65 : memref<64x64xf32, #tpu.memory_space<vmem>>)
    %dma_wait3A_69 = arith.constant 320 : i32
    %dma_wait3A_70 = arith.constant 0 : i32
    %dma_wait3A_71 = tpu.memref_slice %arg7[%dma_wait3A_69, %dma_wait3A_70] : memref<512x64xf32, #tpu.memory_space<vmem>> -> memref<64x64xf32, #tpu.memory_space<vmem>>
    %dma_wait3A_72 = arith.constant 0 : i32
    %dma_wait3A_73 = arith.constant 0 : i32
    %dma_wait3A_74 = tpu.memref_slice %arg3[%dma_wait3A_72, %dma_wait3A_73] : memref<1000000x64xf32, #tpu.memory_space<hbm>> -> memref<64x64xf32, #tpu.memory_space<hbm>>
    %dma_wait3A_75 = arith.constant 320 : i32
    %dma_wait3A_76 = arith.constant 0 : i32
    %dma_wait3A_77 = tpu.memref_slice %arg7[%dma_wait3A_75, %dma_wait3A_76] : memref<512x64xf32, #tpu.memory_space<vmem>> -> memref<64x64xf32, #tpu.memory_space<vmem>>
    %dma_wait3A_78 = arith.constant 0 : i32
    %dma_wait3A_79 = arith.constant 0 : i32
    %dma_wait3A_80 = tpu.memref_slice %arg3[%dma_wait3A_78, %dma_wait3A_79] : memref<1000000x64xf32, #tpu.memory_space<hbm>> -> memref<64x64xf32, #tpu.memory_space<hbm>>
    tpu.wait_dma2 semaphore(%arg13 : memref<!tpu.dma_semaphore, #tpu.memory_space<semaphore_mem>>) src(%dma_wait3A_80 : memref<64x64xf32, #tpu.memory_space<hbm>>) dst(%dma_wait3A_77 : memref<64x64xf32, #tpu.memory_space<vmem>>)
    %dma_wait3A_81 = arith.constant 384 : i32
    %dma_wait3A_82 = arith.constant 0 : i32
    %dma_wait3A_83 = tpu.memref_slice %arg7[%dma_wait3A_81, %dma_wait3A_82] : memref<512x64xf32, #tpu.memory_space<vmem>> -> memref<64x64xf32, #tpu.memory_space<vmem>>
    %dma_wait3A_84 = arith.constant 0 : i32
    %dma_wait3A_85 = arith.constant 0 : i32
    %dma_wait3A_86 = tpu.memref_slice %arg3[%dma_wait3A_84, %dma_wait3A_85] : memref<1000000x64xf32, #tpu.memory_space<hbm>> -> memref<64x64xf32, #tpu.memory_space<hbm>>
    %dma_wait3A_87 = arith.constant 384 : i32
    %dma_wait3A_88 = arith.constant 0 : i32
    %dma_wait3A_89 = tpu.memref_slice %arg7[%dma_wait3A_87, %dma_wait3A_88] : memref<512x64xf32, #tpu.memory_space<vmem>> -> memref<64x64xf32, #tpu.memory_space<vmem>>
    %dma_wait3A_90 = arith.constant 0 : i32
    %dma_wait3A_91 = arith.constant 0 : i32
    %dma_wait3A_92 = tpu.memref_slice %arg3[%dma_wait3A_90, %dma_wait3A_91] : memref<1000000x64xf32, #tpu.memory_space<hbm>> -> memref<64x64xf32, #tpu.memory_space<hbm>>
    tpu.wait_dma2 semaphore(%arg14 : memref<!tpu.dma_semaphore, #tpu.memory_space<semaphore_mem>>) src(%dma_wait3A_92 : memref<64x64xf32, #tpu.memory_space<hbm>>) dst(%dma_wait3A_89 : memref<64x64xf32, #tpu.memory_space<vmem>>)
    %dma_wait3A_93 = arith.constant 448 : i32
    %dma_wait3A_94 = arith.constant 0 : i32
    %dma_wait3A_95 = tpu.memref_slice %arg7[%dma_wait3A_93, %dma_wait3A_94] : memref<512x64xf32, #tpu.memory_space<vmem>> -> memref<64x64xf32, #tpu.memory_space<vmem>>
    %dma_wait3A_96 = arith.constant 0 : i32
    %dma_wait3A_97 = arith.constant 0 : i32
    %dma_wait3A_98 = tpu.memref_slice %arg3[%dma_wait3A_96, %dma_wait3A_97] : memref<1000000x64xf32, #tpu.memory_space<hbm>> -> memref<64x64xf32, #tpu.memory_space<hbm>>
    %dma_wait3A_99 = arith.constant 448 : i32
    %dma_wait3A_100 = arith.constant 0 : i32
    %dma_wait3A_101 = tpu.memref_slice %arg7[%dma_wait3A_99, %dma_wait3A_100] : memref<512x64xf32, #tpu.memory_space<vmem>> -> memref<64x64xf32, #tpu.memory_space<vmem>>
    %dma_wait3A_102 = arith.constant 0 : i32
    %dma_wait3A_103 = arith.constant 0 : i32
    %dma_wait3A_104 = tpu.memref_slice %arg3[%dma_wait3A_102, %dma_wait3A_103] : memref<1000000x64xf32, #tpu.memory_space<hbm>> -> memref<64x64xf32, #tpu.memory_space<hbm>>
    tpu.wait_dma2 semaphore(%arg15 : memref<!tpu.dma_semaphore, #tpu.memory_space<semaphore_mem>>) src(%dma_wait3A_104 : memref<64x64xf32, #tpu.memory_space<hbm>>) dst(%dma_wait3A_101 : memref<64x64xf32, #tpu.memory_space<vmem>>)
    "tpu.region"() ({
      %run_scoped3A = tpu.sem_alloc : memref<!tpu.dma_semaphore, #tpu.memory_space<semaphore_mem>>
      %dma_start3A = arith.constant 0 : i32
      %dma_start3A_105 = tpu.memref_slice %arg4[%mul3A_2, %dma_start3A] : memref<16384x64xf32, #tpu.memory_space<hbm>> -> memref<512x64xf32, #tpu.memory_space<hbm>>
      %dma_start3A_106 = arith.constant 0 : i32
      %dma_start3A_107 = tpu.memref_slice %arg4[%mul3A_2, %dma_start3A_106] : memref<16384x64xf32, #tpu.memory_space<hbm>> -> memref<512x64xf32, #tpu.memory_space<hbm>>
      tpu.enqueue_dma source(%arg7 : memref<512x64xf32, #tpu.memory_space<vmem>>) target(%dma_start3A_107 : memref<512x64xf32, #tpu.memory_space<hbm>>) target_semaphore(%run_scoped3A : memref<!tpu.dma_semaphore, #tpu.memory_space<semaphore_mem>>)
      %dma_wait3A_108 = arith.constant 0 : i32
      %dma_wait3A_109 = tpu.memref_slice %arg4[%mul3A_2, %dma_wait3A_108] : memref<16384x64xf32, #tpu.memory_space<hbm>> -> memref<512x64xf32, #tpu.memory_space<hbm>>
      %dma_wait3A_110 = arith.constant 0 : i32
      %dma_wait3A_111 = tpu.memref_slice %arg4[%mul3A_2, %dma_wait3A_110] : memref<16384x64xf32, #tpu.memory_space<hbm>> -> memref<512x64xf32, #tpu.memory_space<hbm>>
      tpu.wait_dma2 semaphore(%run_scoped3A : memref<!tpu.dma_semaphore, #tpu.memory_space<semaphore_mem>>) src(%arg7 : memref<512x64xf32, #tpu.memory_space<vmem>>) dst(%dma_wait3A_111 : memref<512x64xf32, #tpu.memory_space<hbm>>)
      tpu.yield
    }) : () -> ()
    return
  }
}

</mosaic_0001>

<sc_bundles>
// kernel: kernel.3.cloned.1.call-start
scs
__scs_entry_jumppad:
0x0: {  	(pc) =	sbr.rel $0x88, $3  }
0x1: {  	(tag) =	ssettag $0x0;
	lr =	simm.s32 $0x1  }
0x2: {  	[smem:$0x3F9F] =	sst lr;
	_ =	strace $0xD0000000  }
0x3: {  	_ = 	snop  }
0x4: {  	_ = 	snop  }
0x5: {  	_ = 	snop  }
0x6: {  	_ = 	snop  }
0x7: {  	_ = 	snop  }
__scs_overlays_trampoline_lowered:
0x8: {  	[smem:$0x3FAE] =	sst s0  }
0x9: {  	[smem:$0x3FAF] =	sst s1  }
0xa: {  	[smem:$0x3FB0] =	sst s2  }
0xb: {  	[smem:$0x3FB1] =	sst s3  }
0xc: {  	[smem:$0x3FB2] =	sst s4  }
0xd: {  	[smem:$0x3FB3] =	sst s5  }
0xe: {  	[smem:$0x3FB4] =	sst s6  }
0xf: {  	[smem:$0x3FB5] =	sst s7  }
0x10: {  	[smem:$0x3FB6] =	sst s8  }
0x11: {  	[smem:$0x3FB7] =	sst s9;
	s0 =	simm.s32 @!p0 $0x0  }
0x12: {  	s1 =	sld [smem:$0x3F9D];
	s0 =	simm.s32 @p0 $0x1  }
0x13: {  	[smem:$0x3FB8] =	sst s0;
	s0 =	simm.s32 @!p1 $0x0  }
0x14: {  	s2 =	sld [smem:$0x3F9C];
	s0 =	simm.s32 @p1 $0x1  }
0x15: {  	[smem:$0x3FB9] =	sst s0;
	s0 =	simm.s32 @!p2 $0x0  }
0x16: {  	s3 =	sld [smem:$0x3FDB];
	s0 =	simm.s32 @p2 $0x1  }
0x17: {  	s4 =	simm.s32 $0x1BF5;
	[smem:$0x3FBB] =	sst s0  }
0x18: {  	s0 =	sld [smem:$0x3F9E];
	_ =	swait.ge [sflag:s4], $0x0  }
0x19: {  	s7 =	sld [smem:$0x3F9F]  }
0x1a: {  	s8 =	sadd.s32 $0xFFFFE003, lr  }
0x1b: {  	s9 =	sadd.s32 $0xFFFFFEF7, lr;
	s5 =	simm.s32 $0xFFFFFFFF;
	p2 =	slt.u32 s8, $0xFFFFF086  }
0x1c: {  	p1 =	slt.u32 s9, $0xF7A;
	s5 =	simm.s32 @!p2 $0x0  }
0x1d: {  	s5 =	simm.s32 @p1 $0x1;
	p0 =	seq.s32 s7, s2  }
0x1e: {  	s7 =	smul.u32 @!p0 $0xF7A, s2;
	p2 =	seq.s32 @!p0 s5, $0x0  }
0x1f: {  	s9 =	smul.u32 $0xF7A, s1;
	s8 =	simm.s32 @!p0 $0x1BF5;
	p2 =	por !p2, p0  }
0x20: {  	[sflag:s8] =	ssyncset.s32 @!p0 $0xFFFFF086;
	s6 =	sadd.s32 @!p0 s3, s7;
	s7 =	simm.s32 @!p0 $0x108  }
0x21: {  	s3 =	sadd.s32 s3, s9;
	s6 =	sadd.s32 @!p0 $0x88, s6;
	s7 =	simm.s32 @p2 $0x1082  }
0x22: {  	[simem:s7], [sflag:s8] =	dma.local @!p0 [hbm:s6], $0xF7A  }
0x23: {  	s9 =	sor.u32 $0xD0000000, s2;
	s6 =	simm.s32 $0x108;
	_ =	swait.ge @!p0 [sflag:s8], $0x0  }
0x24: {  	s3 =	sadd.s32 $0x88, s3;
	s6 =	simm.s32 @!p1 $0x1082;
	[sflag:s4] =	ssyncset.s32 $0xFFFFF086  }
0x25: {  	[simem:s6], [sflag:s4] =	dma.local [hbm:s3], $0xF7A  }
0x26: {  	[smem:$0x3F9F] =	sst s1;
	(tag) =	ssettag s2;
	_ =	strace s9  }
0x27: {  	s1 =	sld [smem:$0x3FAF]  }
0x28: {  	s2 =	sld [smem:$0x3FB0]  }
0x29: {  	s4 =	sld [smem:$0x3FB2]  }
0x2a: {  	p0 =	seq.s32 s5, $0x0;
	s5 =	sld [smem:$0x3FB3]  }
0x2b: {  	s6 =	sld [smem:$0x3FB4]  }
0x2c: {  	s7 =	sld [smem:$0x3FB5]  }
0x2d: {  	s3 =	simm.s32 $0x108;
	s8 =	sld [smem:$0x3FB6]  }
0x2e: {  	s3 =	simm.s32 @!p0 $0x1082;
	s9 =	sld [smem:$0x3FB7]  }
0x2f: {  	lr =	sadd.s32 s0, s3;
	s0 =	sld [smem:$0x3FAE]  }
0x30: {  	s3 =	sld [smem:$0x3FB1]  }
0x31: {  	[smem:$0x3FBA] =	sst s10  }
0x32: {  	s10 =	sld [smem:$0x3FB8];
	_ =	sdelay $0x3  }
0x33: {  	p0 =	seq.s32 s10, $0x1;
	s10 =	sld [smem:$0x3FBA];
	_ =	sdelay $0x3  }
0x34: {  	[smem:$0x3FBA] =	sst s10  }
0x35: {  	s10 =	sld [smem:$0x3FB9];
	_ =	sdelay $0x3  }
0x36: {  	p1 =	seq.s32 s10, $0x1;
	s10 =	sld [smem:$0x3FBA];
	_ =	sdelay $0x3  }
0x37: {  	[smem:$0x3FBA] =	sst s10  }
0x38: {  	s10 =	sld [smem:$0x3FBB]  }
0x39: {  	_ = 	snop;
	(pc) =	sbr.ind lr, $3  }
0x3a: {  	_ = 	snop  }
0x3b: {  	_ = 	snop  }
0x3c: {  	p2 =	seq.s32 s10, $0x1;
	s10 =	sld [smem:$0x3FBA]  }
0x3d: {  	_ =	shalt  }
0x3e: {  	_ =	shalt  }
0x3f: {  	_ =	shalt  }
0x40: {  	_ =	shalt  }
0x41: {  	_ =	shalt  }
0x42: {  	_ =	shalt  }
0x43: {  	_ =	shalt  }
0x44: {  	_ =	shalt  }
0x45: {  	_ =	shalt  }
0x46: {  	_ =	shalt  }
0x47: {  	_ =	shalt  }
0x48: {  	_ =	shalt  }
0x49: {  	_ =	shalt  }
0x4a: {  	_ =	shalt  }
0x4b: {  	_ =	shalt  }
0x4c: {  	_ =	shalt  }
0x4d: {  	_ =	shalt  }
0x4e: {  	_ =	shalt  }
0x4f: {  	_ =	shalt  }
0x50: {  	_ =	shalt  }
0x51: {  	_ =	shalt  }
0x52: {  	_ =	shalt  }
0x53: {  	_ =	shalt  }
0x54: {  	_ =	shalt  }
0x55: {  	_ =	shalt  }
0x56: {  	_ =	shalt  }
0x57: {  	_ =	shalt  }
0x58: {  	_ =	shalt  }
0x59: {  	_ =	shalt  }
0x5a: {  	_ =	shalt  }
0x5b: {  	_ =	shalt  }
0x5c: {  	_ =	shalt  }
0x5d: {  	_ =	shalt  }
0x5e: {  	_ =	shalt  }
0x5f: {  	_ =	shalt  }
0x60: {  	_ =	shalt  }
0x61: {  	_ =	shalt  }
0x62: {  	_ =	shalt  }
0x63: {  	_ =	shalt  }
0x64: {  	_ =	shalt  }
0x65: {  	_ =	shalt  }
0x66: {  	_ =	shalt  }
0x67: {  	_ =	shalt  }
0x68: {  	_ =	shalt  }
0x69: {  	_ =	shalt  }
0x6a: {  	_ =	shalt  }
0x6b: {  	_ =	shalt  }
0x6c: {  	_ =	shalt  }
0x6d: {  	_ =	shalt  }
0x6e: {  	_ =	shalt  }
0x6f: {  	_ =	shalt  }
0x70: {  	_ =	shalt  }
0x71: {  	_ =	shalt  }
0x72: {  	_ =	shalt  }
0x73: {  	_ =	shalt  }
0x74: {  	_ =	shalt  }
0x75: {  	_ =	shalt  }
0x76: {  	_ =	shalt  }
0x77: {  	_ =	shalt  }
0x78: {  	_ =	shalt  }
0x79: {  	_ =	shalt  }
0x7a: {  	_ =	shalt  }
0x7b: {  	_ =	shalt  }
0x7c: {  	_ =	shalt  }
0x7d: {  	_ =	shalt  }
0x7e: {  	_ =	shalt  }
0x7f: {  	_ =	shalt  }
0x80: {  	_ =	shalt  }
0x81: {  	_ =	shalt  }
0x82: {  	_ =	shalt  }
0x83: {  	_ =	shalt  }
0x84: {  	_ =	shalt  }
0x85: {  	_ =	shalt  }
0x86: {  	_ =	shalt  }
0x87: {  	_ =	shalt  }
.Lfunc_end0:
.L_simem_size_0:
called_computation_lowered:
.L_overlay_start_0:
0x88: {  	s2 =	sld [smem:$0x3FD9]  }
0x89: {  	s3 =	sld [smem:$0x3FFE];
	_ =	sdelay $0x1  }
0x8a: {  	s1 =	srdreg.scid  }
0x8b: {  	s0 =	sand.u32 $0x1, s1  }
0x8c: {  	s17 =	sshll.u32 s0, $0xA;
	s2 =	sadd.s32 s3, s2  }
0x8d: {  	s2 =	sadd.s32 s2, s17  }
0x8e: {  	[smem:$0x3FC6] =	sst s2  }
0x8f: {  	_ = 	snop  }
0x90: {  	s2 =	sld [smem:$0x3FC9];
	(tm) =	ssettm $0x1  }
0x91: {  	s18 =	sld [smem:$0x3FFB];
	_ =	sdelay $0x3  }
0x92: {  	_ =	strace s18  }
0x93: {  	s3 =	sld [smem:$0x3FFC];
	_ =	sdelay $0x3  }
0x94: {  	_ =	strace s3  }
0x95: {  	s3 =	sld [smem:$0x3FFD];
	_ =	sdelay $0x3  }
0x96: {  	_ =	strace s3  }
0x97: {  	_ =	strace $0x8FFFFFFF  }
0x98: {  	s19 =	sld [smem:$0x3FDB];
	_ =	sdelay $0x1  }
0x99: {  	s4 =	simm.s32 $_scs_section_size  }
0x9a: {  	s5 =	simm.s32 $_size__tile_overlayer_lowered;
	s6 =	simm.s32 $_tile_overlayer_lowered  }
0x9b: {  	s22 =	simm.s32 $0x1BFF;
	s21 =	sshll.u32 s6, $0x1;
	s3 =	sadd.s32 s4, s19  }
0x9c: {  	s7 =	simm.s32 $0x0;
	s20 =	sshll.u32 s5, $0x1;
	s5 =	sadd.s32 s21, s3  }
0x9d: {  	[timem:s7], [sflag:s22] =	dma.local [hbm:s5], s20  }
0x9e: {  	_ =	swait.ge [sflag:s22], s20  }
0x9f: {  	s4 =	ssub.s32 $0x0, s20;
	[sflag:s22] =	ssyncset.done $0x0  }
0xa0: {  	[sflag:s22] =	ssyncadd.s32 s4;
	_ =	sdelay $0x1  }
0xa1: {  	s23 =	simm.s32 $0x1B8B  }
0xa2: {  	_ =	swait.ge [sflag:s23], $0x1  }
0xa3: {  	[sflag:s23] =	ssyncset.done $0x0  }
0xa4: {  	s25 =	simm.s32 $0x1B8E;
	s24 =	sld [smem:$0x3FFE];
	[sflag:s23] =	ssyncadd.s32 $0xFFFFFFFF  }
0xa5: {  	s26 =	simm.s32 $execute0_lowered;
	[smem:$0x3FD2] =	sst s25  }
0xa6: {  	s5 =	sshll.u32 s26, $0x1;
	_ =	strace $0x80000046;
	[dreg:$0x1] =	wrdreg $0xFFFFFFFF  }
0xa7: {  	s28 =	simm.s32 $_size_execute0_lowered;
	s3 =	sadd.s32 s3, s5;
	[dreg:$0x0] =	wrdreg $0x0  }
0xa8: {  	s5 =	sshll.u32 s28, $0x1;
	[dreg:$0x2] =	wrdreg s3  }
0xa9: {  	[dreg:$0x3] =	wrdreg s5  }
0xaa: {  	[dreg:$0x4] =	wrdreg $0xC0  }
0xab: {  	_ =	task [dreg:s7], $0x5FFFF  }
0xac: {  	[dreg:$0x1] =	wrdreg $0xFFFFFFFF  }
0xad: {  	[dreg:$0x0] =	wrdreg $0x60  }
0xae: {  	[dreg:$0x2] =	wrdreg s2  }
0xaf: {  	[dreg:$0x3] =	wrdreg s24  }
0xb0: {  	[dreg:$0x4] =	wrdreg $0x0  }
0xb1: {  	[dreg:$0x5] =	wrdreg $0x9  }
0xb2: {  	_ =	task.clear_ibuf [dreg:s7], $0x6FFFF;
	_ =	strace $0x90000046  }
0xb3: {  	s29 =	simm.s32 $0x9;
	_ =	strace $0x80000048  }
0xb4: {  	_ =	swait.ge [sflag:s29], $0x1  }
0xb5: {  	[sflag:s29] =	ssyncadd.s32 $0xFFFFFFFF  }
0xb6: {  	_ =	strace $0x90000048  }
0xb7: {  	_ =	sfence  }
0xb8: {  	s30 =	sld [smem:$0x0];
	_ =	sdelay $0x2  }
0xb9: {  	s31 =	sshll.u32 s1, $0xD;
	s1 =	sshrl.u32 s1, $0x2  }
0xba: {  	s3 =	sand.u32 $0x4000, s31;
	s1 =	sadd.s32 s1, s30  }
0xbb: {  	s0 =	sor.u32 s3, s0;
	s1 =	sshll.u32 s1, $0x11  }
0xbc: {  	s0 =	sor.u32 s1, s0  }
0xbd: {  	s0 =	sadd.s32 $0x8F2B, s0  }
0xbe: {  	[sflag:s0] =	ssyncadd.remote.s32 $0x1  }
0xbf: {  	_ =	sfence.sel $0xFFFF  }
0xc0: {  	[dreg:$0x0] =	wrdreg $0xFFFFFFFF;
	(pc) =	sbr.abs _section_cstart, $3  }
0xc1: {  	[dreg:$0x1] =	wrdreg $0xFFFFFFFF  }
0xc2: {  	_ =	task.clear_ibuf [dreg:s7], $0x2FFFF;
	_ =	strace $0x9FFFFFFF  }
0xc3: {  	(tm) =	ssettm $0x7FFFFFFF  }
tec
execute0_lowered:
.L_overlay_start_1:
0x0: {  	(tag) =	ssettag $0x1  }
0x1: {  	s1 =	rddreg [dreg:$0x0]  }
0x2: {  	s4 =	rddreg [dreg:$0x1]  }
0x3: {  	s7 =	rddreg [dreg:$0x2];
	s3 =	srdreg.scid  }
0x4: {  	s2 =	simm.s32 $0x0;
	s8 =	stileid.u32;
	s11 =	simm.s32 $0x3  }
0x5: {  	s12 =	simm.s32 $0x4;
	s13 =	simm.s32 $0x5;
	s14 =	simm.s32 $0x6  }
0x6: {  	s15 =	simm.s32 $0x7;
	s16 =	simm.s32 $0x8;
	s17 =	simm.s32 $0x400  }
0x7: {  	s18 =	simm.s32 $0x0;
	s3 =	sand.u32 $0x1, s3;
	[smem:$0x7FF] =	sst s2  }
0x8: {  	s5 =	sshll.u32 s8, $0xA;
	p0 =	sne.s32 s8, $0x0;
	s8 =	simm.s32 $0x9  }
0x9: {  	s6 =	sshll.u32 s3, $0x9;
	_ =	strace $0x80000047;
	s31 =	ssub.s32 $0x2, s3  }
0xa: {  	s3 =	sadd.s32 $0x400, s4;
	s5 =	sor.u32 s6, s5;
	s10 =	sshrl.u32 s31, $0x1  }
0xb: {  	s9 =	sshll.u32 s5, $0x4;
	s6 =	ssub.s32 s31, s10;
	s10 =	simm.s32 $0x2  }
0xc: {  	s9 =	sadd.s32 s9, s4;
	s4 =	sadd.s32 s5, s7;
	s6 =	smax.u32 s6, $0x1  }
0xd: {  	s7 =	sshrl.u32 @!p0 s7, $0x3;
	s5 =	sadd.s32 $0xF42800, s9;
	s9 =	simm.s32 $0x1  }
.LBB2_1:
0xe: {  	s19 =	simm.s32 @!p0 $0x1C09  }
0xf: {  	[spmem:s7], [sflag:s19] =	dma.local @!p0 [hbm:s1], $0x800  }
0x10: {  	s19 =	simm.s32 @!p0 $0x9  }
0x11: {  	_ =	swait.ge @!p0 [sflag:s19], $0x800  }
0x12: {  	[sflag:s19] =	ssyncset.done @!p0 $0x0  }
0x13: {  	[sflag:s19] =	ssyncadd.s32 @!p0 $0xFFFFF800  }
0x14: {  	[bflag:$0x0] =	sbarrier.arrive $0xFFFF  }
0x15: {  	[smem:s2], [sflag:$0x9] =	stream.linear.gather [spmem:s4], $0x200, $0x38;
	[tilespmem:$0x10400] =	vst v63  }
0x16: {  	_ =	swait.ge [sflag:s8], $0x200  }
0x17: {  	[sflag:s8] =	ssyncset.done $0x0  }
0x18: {  	[sflag:s8] =	ssyncadd.s32 $0xFFFFFE00  }
0x19: {  	s20 =	sld [smem:$0x7]  }
0x1a: {  	s21 =	sld [smem:$0x6]  }
0x1b: {  	s22 =	sld [smem:$0x0]  }
0x1c: {  	s28 =	simm.s32 $0x400;
	s23 =	sld [smem:$0x5]  }
0x1d: {  	s30 =	simm.s32 $0x480;
	s19 =	simm.s32 $0x1000;
	s24 =	sld [smem:$0x1]  }
0x1e: {  	s20 =	sshll.u32 s20, $0x4;
	s22 =	sshll.u32 s22, $0x4;
	s25 =	sld [smem:$0x3]  }
0x1f: {  	s22 =	sand.u32 $0x1FFFFFF0, s22;
	s26 =	sld [smem:$0x2];
	s23 =	sshll.u32 s23, $0x4  }
0x20: {  	s22 =	sadd.s32 s3, s22;
	s24 =	sshll.u32 s24, $0x4;
	s29 =	sld [smem:$0x4]  }
0x21: {  	s23 =	sand.u32 $0x1FFFFFF0, s23;
	s24 =	sand.u32 $0x1FFFFFF0, s24;
	s25 =	sshll.u32 s25, $0x4  }
0x22: {  	[tilespmem:s28], [sflag:$0x1] =	stream.linear.gather [hbm4b:s22+s2], $0x80, $0x38;
	[tilespmem:$0x10400] =	vst v63  }
0x23: {  	s28 =	simm.s32 $0x500;
	s23 =	sadd.s32 s3, s23;
	s26 =	sshll.u32 s26, $0x4  }
0x24: {  	s22 =	simm.s32 $0x0;
	s24 =	sadd.s32 s3, s24;
	s26 =	sand.u32 $0x1FFFFFF0, s26  }
0x25: {  	[tilespmem:s30], [sflag:$0x2] =	stream.linear.gather [hbm4b:s24+s2], $0x80, $0x38;
	[tilespmem:$0x10400] =	vst v63  }
0x26: {  	s25 =	sand.u32 $0x1FFFFFF0, s25;
	s0 =	sshll.u32 s29, $0x4;
	s31 =	sadd.s32 s3, s26  }
0x27: {  	[tilespmem:s28], [sflag:$0x3] =	stream.linear.gather [hbm4b:s31+s2], $0x80, $0x38;
	[tilespmem:$0x10400] =	vst v63  }
0x28: {  	s25 =	sadd.s32 s3, s25;
	s24 =	simm.s32 $0x580;
	s26 =	sand.u32 $0x1FFFFFF0, s0  }
0x29: {  	[tilespmem:s24], [sflag:$0x4] =	stream.linear.gather [hbm4b:s25+s2], $0x80, $0x38;
	[tilespmem:$0x10400] =	vst v63  }
0x2a: {  	s29 =	sshll.u32 s21, $0x4;
	s28 =	simm.s32 $0x600;
	s24 =	sadd.s32 s3, s26  }
0x2b: {  	[tilespmem:s28], [sflag:$0x5] =	stream.linear.gather [hbm4b:s24+s2], $0x80, $0x38;
	[tilespmem:$0x10400] =	vst v63  }
0x2c: {  	s30 =	simm.s32 $0x680;
	s21 =	sand.u32 $0x1FFFFFF0, s20;
	s31 =	sand.u32 $0x1FFFFFF0, s29  }
0x2d: {  	[tilespmem:s30], [sflag:$0x6] =	stream.linear.gather [hbm4b:s23+s2], $0x80, $0x38;
	[tilespmem:$0x10400] =	vst v63  }
0x2e: {  	s20 =	simm.s32 $0xC;
	s24 =	sadd.s32 s3, s31;
	s23 =	simm.s32 $0x700  }
.LBB2_2:
0x2f: {  	s25 =	sld [smem:s20+$0x3]  }
0x30: {  	s22 =	sadd.s32 $0x780, s22;
	s21 =	sadd.s32 s3, s21;
	s26 =	smov.u32 s19  }
0x31: {  	[tilespmem:s23], [sflag:$0x7] =	stream.linear.gather [hbm4b:s24+s2], $0x80, $0x38;
	[tilespmem:$0x10400] =	vst v63  }
0x32: {  	p1 =	sne.s32 s19, $0x3F000;
	s19 =	sadd.s32 $0x1000, s19;
	s23 =	sld [smem:s20+$0x2]  }
0x33: {  	[tilespmem:s22], [sflag:$0x8] =	stream.linear.gather [hbm4b:s21+s2], $0x80, $0x38;
	[tilespmem:$0x10400] =	vst v63  }
0x34: {  	s21 =	sshll.u32 s25, $0x4;
	s22 =	sld [smem:s20+$0xFFFFFFFC]  }
0x35: {  	s21 =	sand.u32 $0x1FFFFFF0, s21;
	s24 =	sld [smem:s20+$0x1];
	s23 =	sshll.u32 s23, $0x4  }
0x36: {  	s25 =	sld [smem:s20+$0xFFFFFFFD];
	s28 =	sand.u32 $0x1FFFFFF0, s23  }
0x37: {  	s23 =	sshll.u32 s22, $0x4;
	s29 =	sld [smem:s20+$0xFFFFFFFF]  }
0x38: {  	s22 =	sshra.s32 s26, $0x2;
	s23 =	sand.u32 $0x1FFFFFF0, s23;
	s26 =	sld [smem:s20+$0xFFFFFFFE]  }
0x39: {  	s30 =	sadd.s32 $0x400, s22;
	s23 =	sadd.s32 s3, s23;
	s25 =	sshll.u32 s25, $0x4  }
0x3a: {  	s25 =	sand.u32 $0x1FFFFFF0, s25;
	s29 =	sshll.u32 s29, $0x4;
	s31 =	sld [smem:s20+$0x0]  }
0x3b: {  	s0 =	sadd.s32 $0x480, s22;
	s25 =	sadd.s32 s3, s25;
	s26 =	sshll.u32 s26, $0x4  }
0x3c: {  	[tilespmem:s30], [sflag:$0x1] =	stream.linear.gather [hbm4b:s23+s2], $0x80, $0x38;
	[tilespmem:$0x10400] =	vst v63  }
0x3d: {  	s29 =	sand.u32 $0x1FFFFFF0, s29;
	s23 =	sadd.s32 $0x500, s22;
	s26 =	sand.u32 $0x1FFFFFF0, s26  }
0x3e: {  	[tilespmem:s0], [sflag:$0x2] =	stream.linear.gather [hbm4b:s25+s2], $0x80, $0x38;
	[tilespmem:$0x10400] =	vst v63  }
0x3f: {  	s0 =	sadd.s32 s3, s26;
	s25 =	sadd.s32 s3, s29;
	s26 =	sshll.u32 s31, $0x4  }
0x40: {  	[tilespmem:s23], [sflag:$0x3] =	stream.linear.gather [hbm4b:s0+s2], $0x80, $0x38;
	[tilespmem:$0x10400] =	vst v63  }
0x41: {  	s24 =	sshll.u32 s24, $0x4;
	s0 =	sadd.s32 $0x580, s22;
	s23 =	sand.u32 $0x1FFFFFF0, s26  }
0x42: {  	s26 =	sadd.s32 $0x600, s22;
	s29 =	sadd.s32 s3, s23;
	s23 =	sand.u32 $0x1FFFFFF0, s24  }
0x43: {  	[tilespmem:s0], [sflag:$0x4] =	stream.linear.gather [hbm4b:s25+s2], $0x80, $0x38;
	[tilespmem:$0x10400] =	vst v63  }
.Ltmp0:
0x44: {  	_ = 	snop;
	(pc) =	sbr.rel @p1 .LBB2_2-.Ltmp0, $4  }
0x45: {  	s0 =	sadd.s32 $0x680, s22;
	s25 =	sadd.s32 s3, s23;
	s23 =	sadd.s32 $0x700, s22  }
0x46: {  	[tilespmem:s26], [sflag:$0x5] =	stream.linear.gather [hbm4b:s29+s2], $0x80, $0x38;
	[tilespmem:$0x10400] =	vst v63  }
0x47: {  	s20 =	sadd.s32 $0x8, s20;
	s24 =	sadd.s32 s3, s28  }
0x48: {  	[tilespmem:s0], [sflag:$0x6] =	stream.linear.gather [hbm4b:s25+s2], $0x80, $0x38;
	[tilespmem:$0x10400] =	vst v63  }
0x49: {  	[tilespmem:s23], [sflag:$0x7] =	stream.linear.gather [hbm4b:s24+s2], $0x80, $0x38;
	[tilespmem:$0x10400] =	vst v63  }
0x4a: {  	s0 =	sadd.s32 $0x780, s22;
	s19 =	sadd.s32 s3, s21  }
0x4b: {  	[tilespmem:s0], [sflag:$0x8] =	stream.linear.gather [hbm4b:s19+s2], $0x80, $0x38;
	[tilespmem:$0x10400] =	vst v63  }
0x4c: {  	_ =	swait.ge [sflag:s9], $0x2000  }
0x4d: {  	[sflag:s9] =	ssyncset.done $0x0  }
0x4e: {  	[sflag:s9] =	ssyncadd.s32 $0xFFFFE000  }
0x4f: {  	_ =	swait.ge [sflag:s10], $0x2000  }
0x50: {  	[sflag:s10] =	ssyncset.done $0x0  }
0x51: {  	[sflag:s10] =	ssyncadd.s32 $0xFFFFE000  }
0x52: {  	_ =	swait.ge [sflag:s11], $0x2000  }
0x53: {  	[sflag:s11] =	ssyncset.done $0x0  }
0x54: {  	[sflag:s11] =	ssyncadd.s32 $0xFFFFE000  }
0x55: {  	_ =	swait.ge [sflag:s12], $0x2000  }
0x56: {  	[sflag:s12] =	ssyncset.done $0x0  }
0x57: {  	[sflag:s12] =	ssyncadd.s32 $0xFFFFE000  }
0x58: {  	_ =	swait.ge [sflag:s13], $0x2000  }
0x59: {  	[sflag:s13] =	ssyncset.done $0x0  }
0x5a: {  	[sflag:s13] =	ssyncadd.s32 $0xFFFFE000  }
0x5b: {  	_ =	swait.ge [sflag:s14], $0x2000  }
0x5c: {  	[sflag:s14] =	ssyncset.done $0x0  }
0x5d: {  	[sflag:s14] =	ssyncadd.s32 $0xFFFFE000  }
0x5e: {  	_ =	swait.ge [sflag:s15], $0x2000  }
0x5f: {  	[sflag:s15] =	ssyncset.done $0x0  }
0x60: {  	[sflag:s15] =	ssyncadd.s32 $0xFFFFE000  }
0x61: {  	s18 =	sadd.s32 $0x1, s18;
	_ =	swait.ge [sflag:s16], $0x2000  }
0x62: {  	p1 =	sne.s32 s18, s6;
	[sflag:s16] =	ssyncset.done $0x0  }
.Ltmp1:
0x63: {  	[sflag:s16] =	ssyncadd.s32 $0xFFFFE000;
	(pc) =	sbr.rel @p1 .LBB2_1-.Ltmp1, $4  }
0x64: {  	[hbm4b:s5+s2] =	stream.linear.scatter [tilespmem:s17], [sflag:$0x9], $0x10000, $0x38;
	[tilespmem:$0x10400] =	vst v63  }
0x65: {  	_ =	swait.ge [sflag:s8], $0x10000  }
0x66: {  	[sflag:s8] =	ssyncset.done $0x0  }
0x67: {  	[sflag:s8] =	ssyncadd.s32 $0xFFFF0000  }
0x68: {  	_ =	sfence.sel $0x180000  }
0x69: {  	[bflag:$0x0] =	sbarrier.arrive $0xFFFF  }
0x6a: {  	_ =	strace $0x90000047  }
0x6b: {  	[bflag:$0x2] =	sbarrier.arrive $0xFFFF  }
0x6c: {  	s0 =	rddreg [dreg:$0x3]  }
0x6d: {  	s0 =	sadd.s32 @!p0 $0x100000, s0  }
0x6e: {  	[sflag:s0] =	ssyncadd.tile.s32 @!p0 $0x1;
	_ =	shalt  }
.Lfunc_end2:
_tile_overlayer_lowered:
.L_overlay_start_2:
0x6f: {  	(tag) =	ssettag $0x2  }
0x70: {  	s0 =	rddreg [dreg:$0x0];
	s2 =	stileid.u32  }
0x71: {  	s1 =	rddreg [dreg:$0x1];
	p0 =	sne.s32 s2, $0x0  }
0x72: {  	s3 =	rddreg [dreg:$0x2];
	[bflag:$0x3] =	sbarrier.arrive $0xFFFF;
	s2 =	simm.s32 @!p0 $0x1C09  }
0x73: {  	[timem:s3], [sflag:s2] =	dma.local @!p0 [hbm:s0], s1  }
0x74: {  	s0 =	simm.s32 @!p0 $0x9  }
0x75: {  	_ =	swait.ge @!p0 [sflag:s0], s1  }
0x76: {  	s1 =	ssub.s32 @!p0 $0x0, s1;
	[sflag:s0] =	ssyncset.done @!p0 $0x0  }
0x77: {  	[sflag:s0] =	ssyncadd.s32 @!p0 s1  }
0x78: {  	[bflag:$0x3] =	sbarrier.arrive $0xFFFF  }
0x79: {  	_ =	shalt  }

</sc_bundles>
